<compile_context>
chip_gen: v7x
topology: tpu7x:2x2x1
jax: 0.10.2.dev20260603
libtpu: 0.0.44.dev20260713+nightly
codegen_flags: <defaults>
</compile_context>

<pallas_src>
import functools

import jax
import jax.numpy as jnp
from jax import lax
from jax.experimental import pallas as pl
from jax.experimental.pallas import tpu as pltpu
from jax.experimental.pallas import tpu_sc as plsc

_LANES = 16


def _embed_sum_body(ctx, embed, idx_hbm, emb_hbm, out_hbm,
                    idx_v, rows_v, acc_v, sem0, sem1):
    nch = embed // _LANES
    half = (ctx // 2 + 7) // 8 * 8

    pltpu.sync_copy(idx_hbm, idx_v)
    cp0 = pltpu.async_copy(emb_hbm.at[idx_v.at[pl.ds(0, half)]],
                           rows_v.at[pl.ds(0, half)], sem0)
    cp1 = pltpu.async_copy(emb_hbm.at[idx_v.at[pl.ds(half, ctx - half)]],
                           rows_v.at[pl.ds(half, ctx - half)], sem1)

    def row_sum(j, acc):
        return tuple(acc[ch] + rows_v[j, pl.ds(ch * _LANES, _LANES)]
                     for ch in range(nch))

    cp0.wait()
    acc = lax.fori_loop(1, half, row_sum,
                        tuple(rows_v[0, pl.ds(ch * _LANES, _LANES)]
                              for ch in range(nch)))
    cp1.wait()
    acc = lax.fori_loop(half, ctx, row_sum, acc)
    for ch in range(nch):
        acc_v[pl.ds(ch * _LANES, _LANES)] = acc[ch]
    pltpu.sync_copy(acc_v, out_hbm.at[0])


def _embed_sum_sc(idx, emb):
    embed = emb.shape[1]
    ctx = idx.shape[0]
    mesh = plsc.VectorSubcoreMesh(
        core_axis_name="c", subcore_axis_name="s",
        num_cores=1, num_subcores=1)
    kern = pl.kernel(
        functools.partial(_embed_sum_body, ctx, embed),
        out_type=jax.ShapeDtypeStruct((1, embed), jnp.float32),
        mesh=mesh,
        scratch_types=[
            pltpu.VMEM((ctx,), jnp.int32),
            pltpu.VMEM((ctx, embed), jnp.float32),
            pltpu.VMEM((embed,), jnp.float32),
            pltpu.SemaphoreType.DMA,
            pltpu.SemaphoreType.DMA,
        ],
    )
    return kern(idx, emb)


_TILE = 16384


def _matvec_body(e_ref, w_ref, b_ref, o_ref):
    o_ref[...] = jax.lax.dot_general(
        e_ref[...], w_ref[...],
        dimension_numbers=(((1,), (1,)), ((), ())),
        preferred_element_type=jnp.float32) + b_ref[...].reshape(1, -1)


def _matvec_tc(partials, W, b):
    vocab, embed = W.shape
    grid = (vocab + _TILE - 1) // _TILE
    return pl.pallas_call(
        _matvec_body,
        grid=(grid,),
        in_specs=[
            pl.BlockSpec((1, embed), lambda i: (0, 0)),
            pl.BlockSpec((_TILE, embed), lambda i: (i, 0)),
            pl.BlockSpec((_TILE,), lambda i: (i,)),
        ],
        out_specs=pl.BlockSpec((1, _TILE), lambda i: (0, i)),
        out_shape=jax.ShapeDtypeStruct((1, vocab), jnp.float32),
    )(partials, W, b)


def kernel(inputs, emb, W, b):
    idx = inputs.astype(jnp.int32)
    partials = _embed_sum_sc(idx, emb)
    return _matvec_tc(partials, W, b)

# --- scband reference (transcript-rebuilt; emitter-appended) ---
"""Pipeline reference for scband-cbowmodel-14654428414512 (READ-ONLY COPY).

The authoritative reference and input builder live on the scoring server;
editing this copy changes nothing except your own understanding.
"""

import jax, jax.numpy as jnp
import numpy as np

VOCAB = 100000
EMBED = 128
CTX = 200

def setup_inputs(seed: int = 0) -> dict:
    key = jax.random.key(seed)
    k1, k2, k3 = jax.random.split(key, 3)
    inputs = jax.random.randint(k1, (CTX,), 0, VOCAB)
    emb = jax.random.normal(k2, (VOCAB, EMBED), dtype=jnp.float32) * 0.02
    W = jax.random.normal(k3, (VOCAB, EMBED), dtype=jnp.float32) * 0.02
    b = jnp.zeros((VOCAB,), dtype=jnp.float32)
    return {"inputs": inputs, "emb": emb, "W": W, "b": b}

def reference(inputs, emb, W, b):
    # embeds = sum(self.embeddings(inputs)).view(1, -1)
    gathered = jnp.take(emb, inputs, axis=0)          # [CTX, EMBED]
    embeds = jnp.sum(gathered, axis=0).reshape(1, -1)  # [1, EMBED]
    # out = self.linear1(embeds)  -> weight [VOCAB, EMBED], bias [VOCAB]
    out = embeds @ W.T + b                             # [1, VOCAB]
    return out

if __name__ == "__main__":
    import jax
    _d = setup_inputs()
    print(jax.jit(kernel)(*tuple(_d.values())))

</pallas_src>

<mosaic_0001>
#map = affine_map<(d0, d1) -> (0)>
#map1 = affine_map<(d0, d1) -> (0, 0)>
module attributes {stable_mosaic.version = 14 : i64} {
  func.func @_embed_sum_body(%arg0: i32, %arg1: i32, %arg2: memref<200xi32, #tpu.memory_space<hbm>>, %arg3: memref<100000x128xf32, #tpu.memory_space<hbm>>, %arg4: memref<1x128xf32, #tpu.memory_space<hbm>>, %arg5: memref<200xi32, #tpu.memory_space<vmem>>, %arg6: memref<200x128xf32, #tpu.memory_space<vmem>>, %arg7: memref<128xf32, #tpu.memory_space<vmem>>, %arg8: memref<!tpu.dma_semaphore, #tpu.memory_space<semaphore_mem>>, %arg9: memref<!tpu.dma_semaphore, #tpu.memory_space<semaphore_mem>>) attributes {dimension_semantics = [#tpu.dimension_semantics<core_parallel>, #tpu.dimension_semantics<subcore_parallel>], iteration_bounds = array<i64: 1, 1>, scalar_prefetch = 0 : i64, scratch_operands = 5 : i64, tpu.core_type = #tpu.core_type<sc_vector_subcore>, window_params = [{transform_indices = #map}, {transform_indices = #map1}, {transform_indices = #map1}]} {
    "tpu.region"() ({
      %run_scoped3A_111 = tpu.sem_alloc : memref<!tpu.dma_semaphore, #tpu.memory_space<semaphore_mem>>
      tpu.enqueue_dma source(%arg2 : memref<200xi32, #tpu.memory_space<hbm>>) target(%arg5 : memref<200xi32, #tpu.memory_space<vmem>>) target_semaphore(%run_scoped3A_111 : memref<!tpu.dma_semaphore, #tpu.memory_space<semaphore_mem>>)
      tpu.wait_dma2 semaphore(%run_scoped3A_111 : memref<!tpu.dma_semaphore, #tpu.memory_space<semaphore_mem>>) src(%arg2 : memref<200xi32, #tpu.memory_space<hbm>>) dst(%arg5 : memref<200xi32, #tpu.memory_space<vmem>>)
      tpu.yield
    }) : () -> ()
    %dma_start3A = arith.constant 0 : i32
    %dma_start3A_0 = arith.constant 0 : i32
    %dma_start3A_1 = tpu.memref_slice %arg6[%dma_start3A, %dma_start3A_0] : memref<200x128xf32, #tpu.memory_space<vmem>> -> memref<104x128xf32, #tpu.memory_space<vmem>>
    %dma_start3A_2 = arith.constant 0 : i32
    %dma_start3A_3 = tpu.memref_slice %arg5[%dma_start3A_2] : memref<200xi32, #tpu.memory_space<vmem>> -> memref<104xi32, #tpu.memory_space<vmem>>
    %dma_start3A_4 = arith.constant 0 : i32
    %dma_start3A_5 = arith.constant 0 : i32
    %dma_start3A_6 = tpu.memref_slice %arg3[%dma_start3A_4, %dma_start3A_5] : memref<100000x128xf32, #tpu.memory_space<hbm>> -> memref<100000x128xf32, #tpu.memory_space<hbm>>
    tpu.enqueue_indirect_dma source(%dma_start3A_6 : memref<100000x128xf32, #tpu.memory_space<hbm>>) target(%dma_start3A_1 : memref<104x128xf32, #tpu.memory_space<vmem>>) offsets(%dma_start3A_3 : memref<104xi32, #tpu.memory_space<vmem>>) semaphore(%arg8 : memref<!tpu.dma_semaphore, #tpu.memory_space<semaphore_mem>>)
    %dma_start3A_7 = arith.constant 104 : i32
    %dma_start3A_8 = arith.constant 0 : i32
    %dma_start3A_9 = tpu.memref_slice %arg6[%dma_start3A_7, %dma_start3A_8] : memref<200x128xf32, #tpu.memory_space<vmem>> -> memref<96x128xf32, #tpu.memory_space<vmem>>
    %dma_start3A_10 = arith.constant 104 : i32
    %dma_start3A_11 = tpu.memref_slice %arg5[%dma_start3A_10] : memref<200xi32, #tpu.memory_space<vmem>> -> memref<96xi32, #tpu.memory_space<vmem>>
    %dma_start3A_12 = arith.constant 0 : i32
    %dma_start3A_13 = arith.constant 0 : i32
    %dma_start3A_14 = tpu.memref_slice %arg3[%dma_start3A_12, %dma_start3A_13] : memref<100000x128xf32, #tpu.memory_space<hbm>> -> memref<100000x128xf32, #tpu.memory_space<hbm>>
    tpu.enqueue_indirect_dma source(%dma_start3A_14 : memref<100000x128xf32, #tpu.memory_space<hbm>>) target(%dma_start3A_9 : memref<96x128xf32, #tpu.memory_space<vmem>>) offsets(%dma_start3A_11 : memref<96xi32, #tpu.memory_space<vmem>>) semaphore(%arg9 : memref<!tpu.dma_semaphore, #tpu.memory_space<semaphore_mem>>)
    %dma_wait3A = arith.constant 0 : i32
    %dma_wait3A_15 = arith.constant 0 : i32
    %dma_wait3A_16 = tpu.memref_slice %arg6[%dma_wait3A, %dma_wait3A_15] : memref<200x128xf32, #tpu.memory_space<vmem>> -> memref<104x128xf32, #tpu.memory_space<vmem>>
    %dma_wait3A_17 = arith.constant 0 : i32
    %dma_wait3A_18 = tpu.memref_slice %arg5[%dma_wait3A_17] : memref<200xi32, #tpu.memory_space<vmem>> -> memref<104xi32, #tpu.memory_space<vmem>>
    %dma_wait3A_19 = arith.constant 0 : i32
    %dma_wait3A_20 = arith.constant 0 : i32
    %dma_wait3A_21 = tpu.memref_slice %arg3[%dma_wait3A_19, %dma_wait3A_20] : memref<100000x128xf32, #tpu.memory_space<hbm>> -> memref<100000x128xf32, #tpu.memory_space<hbm>>
    tpu.wait_indirect_dma semaphore(%arg8 : memref<!tpu.dma_semaphore, #tpu.memory_space<semaphore_mem>>) src(%dma_wait3A_21 : memref<100000x128xf32, #tpu.memory_space<hbm>>) dst(%dma_wait3A_16 : memref<104x128xf32, #tpu.memory_space<vmem>>)
    %get3A = arith.constant 0 : i32
    %get3A_22 = arith.index_cast %get3A : i32 to index
    %get3A_23 = arith.constant 0 : index
    %get3A_24 = tpu.vector_load %arg6[%get3A_22, %get3A_23] {strides = array<i32>} : memref<200x128xf32, #tpu.memory_space<vmem>>, vector<1x16xf32>,
    %get3A_25 = vector.shape_cast %get3A_24 : vector<1x16xf32> to vector<16xf32>
    %get3A_26 = arith.constant 0 : i32
    %get3A_27 = arith.index_cast %get3A_26 : i32 to index
    %get3A_28 = arith.constant 16 : index
    %get3A_29 = tpu.vector_load %arg6[%get3A_27, %get3A_28] {strides = array<i32>} : memref<200x128xf32, #tpu.memory_space<vmem>>, vector<1x16xf32>,
    %get3A_30 = vector.shape_cast %get3A_29 : vector<1x16xf32> to vector<16xf32>
    %get3A_31 = arith.constant 0 : i32
    %get3A_32 = arith.index_cast %get3A_31 : i32 to index
    %get3A_33 = arith.constant 32 : index
    %get3A_34 = tpu.vector_load %arg6[%get3A_32, %get3A_33] {strides = array<i32>} : memref<200x128xf32, #tpu.memory_space<vmem>>, vector<1x16xf32>,
    %get3A_35 = vector.shape_cast %get3A_34 : vector<1x16xf32> to vector<16xf32>
    %get3A_36 = arith.constant 0 : i32
    %get3A_37 = arith.index_cast %get3A_36 : i32 to index
    %get3A_38 = arith.constant 48 : index
    %get3A_39 = tpu.vector_load %arg6[%get3A_37, %get3A_38] {strides = array<i32>} : memref<200x128xf32, #tpu.memory_space<vmem>>, vector<1x16xf32>,
    %get3A_40 = vector.shape_cast %get3A_39 : vector<1x16xf32> to vector<16xf32>
    %get3A_41 = arith.constant 0 : i32
    %get3A_42 = arith.index_cast %get3A_41 : i32 to index
    %get3A_43 = arith.constant 64 : index
    %get3A_44 = tpu.vector_load %arg6[%get3A_42, %get3A_43] {strides = array<i32>} : memref<200x128xf32, #tpu.memory_space<vmem>>, vector<1x16xf32>,
    %get3A_45 = vector.shape_cast %get3A_44 : vector<1x16xf32> to vector<16xf32>
    %get3A_46 = arith.constant 0 : i32
    %get3A_47 = arith.index_cast %get3A_46 : i32 to index
    %get3A_48 = arith.constant 80 : index
    %get3A_49 = tpu.vector_load %arg6[%get3A_47, %get3A_48] {strides = array<i32>} : memref<200x128xf32, #tpu.memory_space<vmem>>, vector<1x16xf32>,
    %get3A_50 = vector.shape_cast %get3A_49 : vector<1x16xf32> to vector<16xf32>
    %get3A_51 = arith.constant 0 : i32
    %get3A_52 = arith.index_cast %get3A_51 : i32 to index
    %get3A_53 = arith.constant 96 : index
    %get3A_54 = tpu.vector_load %arg6[%get3A_52, %get3A_53] {strides = array<i32>} : memref<200x128xf32, #tpu.memory_space<vmem>>, vector<1x16xf32>,
    %get3A_55 = vector.shape_cast %get3A_54 : vector<1x16xf32> to vector<16xf32>
    %get3A_56 = arith.constant 0 : i32
    %get3A_57 = arith.index_cast %get3A_56 : i32 to index
    %get3A_58 = arith.constant 112 : index
    %get3A_59 = tpu.vector_load %arg6[%get3A_57, %get3A_58] {strides = array<i32>} : memref<200x128xf32, #tpu.memory_space<vmem>>, vector<1x16xf32>,
    %get3A_60 = vector.shape_cast %get3A_59 : vector<1x16xf32> to vector<16xf32>
    %scan3A = arith.constant 1 : i32
    %scan3A_61 = arith.constant 103 : i32
    %scan3A_62 = arith.addi %scan3A, %scan3A_61 : i32
    %scan3A_63 = arith.constant 1 : i32
    %scan3A_64:8 = scf.for %scan3A_111 = %scan3A to %scan3A_62 step %scan3A_63 iter_args(%scan3A_112 = %get3A_25, %scan3A_113 = %get3A_30, %scan3A_114 = %get3A_35, %scan3A_115 = %get3A_40, %scan3A_116 = %get3A_45, %scan3A_117 = %get3A_50, %scan3A_118 = %get3A_55, %scan3A_119 = %get3A_60) -> (vector<16xf32>, vector<16xf32>, vector<16xf32>, vector<16xf32>, vector<16xf32>, vector<16xf32>, vector<16xf32>, vector<16xf32>)  : i32 {
      %get3A_120 = arith.index_cast %scan3A_111 : i32 to index
      %get3A_121 = arith.constant 0 : index
      %get3A_122 = tpu.vector_load %arg6[%get3A_120, %get3A_121] {strides = array<i32>} : memref<200x128xf32, #tpu.memory_space<vmem>>, vector<1x16xf32>,
      %get3A_123 = vector.shape_cast %get3A_122 : vector<1x16xf32> to vector<16xf32>
      %add3A = arith.addf %scan3A_112, %get3A_123 : vector<16xf32>
      %get3A_124 = arith.index_cast %scan3A_111 : i32 to index
      %get3A_125 = arith.constant 16 : index
      %get3A_126 = tpu.vector_load %arg6[%get3A_124, %get3A_125] {strides = array<i32>} : memref<200x128xf32, #tpu.memory_space<vmem>>, vector<1x16xf32>,
      %get3A_127 = vector.shape_cast %get3A_126 : vector<1x16xf32> to vector<16xf32>
      %add3A_128 = arith.addf %scan3A_113, %get3A_127 : vector<16xf32>
      %get3A_129 = arith.index_cast %scan3A_111 : i32 to index
      %get3A_130 = arith.constant 32 : index
      %get3A_131 = tpu.vector_load %arg6[%get3A_129, %get3A_130] {strides = array<i32>} : memref<200x128xf32, #tpu.memory_space<vmem>>, vector<1x16xf32>,
      %get3A_132 = vector.shape_cast %get3A_131 : vector<1x16xf32> to vector<16xf32>
      %add3A_133 = arith.addf %scan3A_114, %get3A_132 : vector<16xf32>
      %get3A_134 = arith.index_cast %scan3A_111 : i32 to index
      %get3A_135 = arith.constant 48 : index
      %get3A_136 = tpu.vector_load %arg6[%get3A_134, %get3A_135] {strides = array<i32>} : memref<200x128xf32, #tpu.memory_space<vmem>>, vector<1x16xf32>,
      %get3A_137 = vector.shape_cast %get3A_136 : vector<1x16xf32> to vector<16xf32>
      %add3A_138 = arith.addf %scan3A_115, %get3A_137 : vector<16xf32>
      %get3A_139 = arith.index_cast %scan3A_111 : i32 to index
      %get3A_140 = arith.constant 64 : index
      %get3A_141 = tpu.vector_load %arg6[%get3A_139, %get3A_140] {strides = array<i32>} : memref<200x128xf32, #tpu.memory_space<vmem>>, vector<1x16xf32>,
      %get3A_142 = vector.shape_cast %get3A_141 : vector<1x16xf32> to vector<16xf32>
      %add3A_143 = arith.addf %scan3A_116, %get3A_142 : vector<16xf32>
      %get3A_144 = arith.index_cast %scan3A_111 : i32 to index
      %get3A_145 = arith.constant 80 : index
      %get3A_146 = tpu.vector_load %arg6[%get3A_144, %get3A_145] {strides = array<i32>} : memref<200x128xf32, #tpu.memory_space<vmem>>, vector<1x16xf32>,
      %get3A_147 = vector.shape_cast %get3A_146 : vector<1x16xf32> to vector<16xf32>
      %add3A_148 = arith.addf %scan3A_117, %get3A_147 : vector<16xf32>
      %get3A_149 = arith.index_cast %scan3A_111 : i32 to index
      %get3A_150 = arith.constant 96 : index
      %get3A_151 = tpu.vector_load %arg6[%get3A_149, %get3A_150] {strides = array<i32>} : memref<200x128xf32, #tpu.memory_space<vmem>>, vector<1x16xf32>,
      %get3A_152 = vector.shape_cast %get3A_151 : vector<1x16xf32> to vector<16xf32>
      %add3A_153 = arith.addf %scan3A_118, %get3A_152 : vector<16xf32>
      %get3A_154 = arith.index_cast %scan3A_111 : i32 to index
      %get3A_155 = arith.constant 112 : index
      %get3A_156 = tpu.vector_load %arg6[%get3A_154, %get3A_155] {strides = array<i32>} : memref<200x128xf32, #tpu.memory_space<vmem>>, vector<1x16xf32>,
      %get3A_157 = vector.shape_cast %get3A_156 : vector<1x16xf32> to vector<16xf32>
      %add3A_158 = arith.addf %scan3A_119, %get3A_157 : vector<16xf32>
      scf.yield %add3A, %add3A_128, %add3A_133, %add3A_138, %add3A_143, %add3A_148, %add3A_153, %add3A_158 : vector<16xf32>, vector<16xf32>, vector<16xf32>, vector<16xf32>, vector<16xf32>, vector<16xf32>, vector<16xf32>, vector<16xf32>
    }
    %scan3A_65 = arith.constant 103 : i32
    %dma_wait3A_66 = arith.constant 104 : i32
    %dma_wait3A_67 = arith.constant 0 : i32
    %dma_wait3A_68 = tpu.memref_slice %arg6[%dma_wait3A_66, %dma_wait3A_67] : memref<200x128xf32, #tpu.memory_space<vmem>> -> memref<96x128xf32, #tpu.memory_space<vmem>>
    %dma_wait3A_69 = arith.constant 104 : i32
    %dma_wait3A_70 = tpu.memref_slice %arg5[%dma_wait3A_69] : memref<200xi32, #tpu.memory_space<vmem>> -> memref<96xi32, #tpu.memory_space<vmem>>
    %dma_wait3A_71 = arith.constant 0 : i32
    %dma_wait3A_72 = arith.constant 0 : i32
    %dma_wait3A_73 = tpu.memref_slice %arg3[%dma_wait3A_71, %dma_wait3A_72] : memref<100000x128xf32, #tpu.memory_space<hbm>> -> memref<100000x128xf32, #tpu.memory_space<hbm>>
    tpu.wait_indirect_dma semaphore(%arg9 : memref<!tpu.dma_semaphore, #tpu.memory_space<semaphore_mem>>) src(%dma_wait3A_73 : memref<100000x128xf32, #tpu.memory_space<hbm>>) dst(%dma_wait3A_68 : memref<96x128xf32, #tpu.memory_space<vmem>>)
    %scan3A_74 = arith.constant 104 : i32
    %scan3A_75 = arith.constant 96 : i32
    %scan3A_76 = arith.addi %scan3A_74, %scan3A_75 : i32
    %scan3A_77 = arith.constant 1 : i32
    %scan3A_78:8 = scf.for %scan3A_111 = %scan3A_74 to %scan3A_76 step %scan3A_77 iter_args(%scan3A_112 = %scan3A_64#0, %scan3A_113 = %scan3A_64#1, %scan3A_114 = %scan3A_64#2, %scan3A_115 = %scan3A_64#3, %scan3A_116 = %scan3A_64#4, %scan3A_117 = %scan3A_64#5, %scan3A_118 = %scan3A_64#6, %scan3A_119 = %scan3A_64#7) -> (vector<16xf32>, vector<16xf32>, vector<16xf32>, vector<16xf32>, vector<16xf32>, vector<16xf32>, vector<16xf32>, vector<16xf32>)  : i32 {
      %get3A_120 = arith.index_cast %scan3A_111 : i32 to index
      %get3A_121 = arith.constant 0 : index
      %get3A_122 = tpu.vector_load %arg6[%get3A_120, %get3A_121] {strides = array<i32>} : memref<200x128xf32, #tpu.memory_space<vmem>>, vector<1x16xf32>,
      %get3A_123 = vector.shape_cast %get3A_122 : vector<1x16xf32> to vector<16xf32>
      %add3A = arith.addf %scan3A_112, %get3A_123 : vector<16xf32>
      %get3A_124 = arith.index_cast %scan3A_111 : i32 to index
      %get3A_125 = arith.constant 16 : index
      %get3A_126 = tpu.vector_load %arg6[%get3A_124, %get3A_125] {strides = array<i32>} : memref<200x128xf32, #tpu.memory_space<vmem>>, vector<1x16xf32>,
      %get3A_127 = vector.shape_cast %get3A_126 : vector<1x16xf32> to vector<16xf32>
      %add3A_128 = arith.addf %scan3A_113, %get3A_127 : vector<16xf32>
      %get3A_129 = arith.index_cast %scan3A_111 : i32 to index
      %get3A_130 = arith.constant 32 : index
      %get3A_131 = tpu.vector_load %arg6[%get3A_129, %get3A_130] {strides = array<i32>} : memref<200x128xf32, #tpu.memory_space<vmem>>, vector<1x16xf32>,
      %get3A_132 = vector.shape_cast %get3A_131 : vector<1x16xf32> to vector<16xf32>
      %add3A_133 = arith.addf %scan3A_114, %get3A_132 : vector<16xf32>
      %get3A_134 = arith.index_cast %scan3A_111 : i32 to index
      %get3A_135 = arith.constant 48 : index
      %get3A_136 = tpu.vector_load %arg6[%get3A_134, %get3A_135] {strides = array<i32>} : memref<200x128xf32, #tpu.memory_space<vmem>>, vector<1x16xf32>,
      %get3A_137 = vector.shape_cast %get3A_136 : vector<1x16xf32> to vector<16xf32>
      %add3A_138 = arith.addf %scan3A_115, %get3A_137 : vector<16xf32>
      %get3A_139 = arith.index_cast %scan3A_111 : i32 to index
      %get3A_140 = arith.constant 64 : index
      %get3A_141 = tpu.vector_load %arg6[%get3A_139, %get3A_140] {strides = array<i32>} : memref<200x128xf32, #tpu.memory_space<vmem>>, vector<1x16xf32>,
      %get3A_142 = vector.shape_cast %get3A_141 : vector<1x16xf32> to vector<16xf32>
      %add3A_143 = arith.addf %scan3A_116, %get3A_142 : vector<16xf32>
      %get3A_144 = arith.index_cast %scan3A_111 : i32 to index
      %get3A_145 = arith.constant 80 : index
      %get3A_146 = tpu.vector_load %arg6[%get3A_144, %get3A_145] {strides = array<i32>} : memref<200x128xf32, #tpu.memory_space<vmem>>, vector<1x16xf32>,
      %get3A_147 = vector.shape_cast %get3A_146 : vector<1x16xf32> to vector<16xf32>
      %add3A_148 = arith.addf %scan3A_117, %get3A_147 : vector<16xf32>
      %get3A_149 = arith.index_cast %scan3A_111 : i32 to index
      %get3A_150 = arith.constant 96 : index
      %get3A_151 = tpu.vector_load %arg6[%get3A_149, %get3A_150] {strides = array<i32>} : memref<200x128xf32, #tpu.memory_space<vmem>>, vector<1x16xf32>,
      %get3A_152 = vector.shape_cast %get3A_151 : vector<1x16xf32> to vector<16xf32>
      %add3A_153 = arith.addf %scan3A_118, %get3A_152 : vector<16xf32>
      %get3A_154 = arith.index_cast %scan3A_111 : i32 to index
      %get3A_155 = arith.constant 112 : index
      %get3A_156 = tpu.vector_load %arg6[%get3A_154, %get3A_155] {strides = array<i32>} : memref<200x128xf32, #tpu.memory_space<vmem>>, vector<1x16xf32>,
      %get3A_157 = vector.shape_cast %get3A_156 : vector<1x16xf32> to vector<16xf32>
      %add3A_158 = arith.addf %scan3A_119, %get3A_157 : vector<16xf32>
      scf.yield %add3A, %add3A_128, %add3A_133, %add3A_138, %add3A_143, %add3A_148, %add3A_153, %add3A_158 : vector<16xf32>, vector<16xf32>, vector<16xf32>, vector<16xf32>, vector<16xf32>, vector<16xf32>, vector<16xf32>, vector<16xf32>
    }
    %scan3A_79 = arith.constant 96 : i32
    %swap3A = arith.constant 0 : index
    %swap3A_80 = tpu.vector_load %arg7[%swap3A] {strides = array<i32>} : memref<128xf32, #tpu.memory_space<vmem>>, vector<16xf32>,
    %swap3A_81 = vector.shape_cast %swap3A_80 : vector<16xf32> to vector<16xf32>
    %swap3A_82 = vector.shape_cast %scan3A_78#0 : vector<16xf32> to vector<16xf32>
    tpu.vector_store %arg7[%swap3A], %swap3A_82 {strides = array<i32>} : memref<128xf32, #tpu.memory_space<vmem>>, vector<16xf32>,
    %swap3A_83 = arith.constant 16 : index
    %swap3A_84 = tpu.vector_load %arg7[%swap3A_83] {strides = array<i32>} : memref<128xf32, #tpu.memory_space<vmem>>, vector<16xf32>,
    %swap3A_85 = vector.shape_cast %swap3A_84 : vector<16xf32> to vector<16xf32>
    %swap3A_86 = vector.shape_cast %scan3A_78#1 : vector<16xf32> to vector<16xf32>
    tpu.vector_store %arg7[%swap3A_83], %swap3A_86 {strides = array<i32>} : memref<128xf32, #tpu.memory_space<vmem>>, vector<16xf32>,
    %swap3A_87 = arith.constant 32 : index
    %swap3A_88 = tpu.vector_load %arg7[%swap3A_87] {strides = array<i32>} : memref<128xf32, #tpu.memory_space<vmem>>, vector<16xf32>,
    %swap3A_89 = vector.shape_cast %swap3A_88 : vector<16xf32> to vector<16xf32>
    %swap3A_90 = vector.shape_cast %scan3A_78#2 : vector<16xf32> to vector<16xf32>
    tpu.vector_store %arg7[%swap3A_87], %swap3A_90 {strides = array<i32>} : memref<128xf32, #tpu.memory_space<vmem>>, vector<16xf32>,
    %swap3A_91 = arith.constant 48 : index
    %swap3A_92 = tpu.vector_load %arg7[%swap3A_91] {strides = array<i32>} : memref<128xf32, #tpu.memory_space<vmem>>, vector<16xf32>,
    %swap3A_93 = vector.shape_cast %swap3A_92 : vector<16xf32> to vector<16xf32>
    %swap3A_94 = vector.shape_cast %scan3A_78#3 : vector<16xf32> to vector<16xf32>
    tpu.vector_store %arg7[%swap3A_91], %swap3A_94 {strides = array<i32>} : memref<128xf32, #tpu.memory_space<vmem>>, vector<16xf32>,
    %swap3A_95 = arith.constant 64 : index
    %swap3A_96 = tpu.vector_load %arg7[%swap3A_95] {strides = array<i32>} : memref<128xf32, #tpu.memory_space<vmem>>, vector<16xf32>,
    %swap3A_97 = vector.shape_cast %swap3A_96 : vector<16xf32> to vector<16xf32>
    %swap3A_98 = vector.shape_cast %scan3A_78#4 : vector<16xf32> to vector<16xf32>
    tpu.vector_store %arg7[%swap3A_95], %swap3A_98 {strides = array<i32>} : memref<128xf32, #tpu.memory_space<vmem>>, vector<16xf32>,
    %swap3A_99 = arith.constant 80 : index
    %swap3A_100 = tpu.vector_load %arg7[%swap3A_99] {strides = array<i32>} : memref<128xf32, #tpu.memory_space<vmem>>, vector<16xf32>,
    %swap3A_101 = vector.shape_cast %swap3A_100 : vector<16xf32> to vector<16xf32>
    %swap3A_102 = vector.shape_cast %scan3A_78#5 : vector<16xf32> to vector<16xf32>
    tpu.vector_store %arg7[%swap3A_99], %swap3A_102 {strides = array<i32>} : memref<128xf32, #tpu.memory_space<vmem>>, vector<16xf32>,
    %swap3A_103 = arith.constant 96 : index
    %swap3A_104 = tpu.vector_load %arg7[%swap3A_103] {strides = array<i32>} : memref<128xf32, #tpu.memory_space<vmem>>, vector<16xf32>,
    %swap3A_105 = vector.shape_cast %swap3A_104 : vector<16xf32> to vector<16xf32>
    %swap3A_106 = vector.shape_cast %scan3A_78#6 : vector<16xf32> to vector<16xf32>
    tpu.vector_store %arg7[%swap3A_103], %swap3A_106 {strides = array<i32>} : memref<128xf32, #tpu.memory_space<vmem>>, vector<16xf32>,
    %swap3A_107 = arith.constant 112 : index
    %swap3A_108 = tpu.vector_load %arg7[%swap3A_107] {strides = array<i32>} : memref<128xf32, #tpu.memory_space<vmem>>, vector<16xf32>,
    %swap3A_109 = vector.shape_cast %swap3A_108 : vector<16xf32> to vector<16xf32>
    %swap3A_110 = vector.shape_cast %scan3A_78#7 : vector<16xf32> to vector<16xf32>
    tpu.vector_store %arg7[%swap3A_107], %swap3A_110 {strides = array<i32>} : memref<128xf32, #tpu.memory_space<vmem>>, vector<16xf32>,
    %run_scoped3A = arith.constant 0 : i32
    "tpu.region"() ({
      %run_scoped3A_111 = tpu.sem_alloc : memref<!tpu.dma_semaphore, #tpu.memory_space<semaphore_mem>>
      %dma_start3A_112 = arith.constant 0 : i32
      %dma_start3A_113 = tpu.memref_slice %arg4[%run_scoped3A, %dma_start3A_112] : memref<1x128xf32, #tpu.memory_space<hbm>> -> memref<1x128xf32, #tpu.memory_space<hbm>>
      %dma_start3A_114 = tpu.memref_squeeze %dma_start3A_113 : memref<1x128xf32, #tpu.memory_space<hbm>> -> memref<128xf32, #tpu.memory_space<hbm>>
      %dma_start3A_115 = arith.constant 0 : i32
      %dma_start3A_116 = tpu.memref_slice %arg4[%run_scoped3A, %dma_start3A_115] : memref<1x128xf32, #tpu.memory_space<hbm>> -> memref<1x128xf32, #tpu.memory_space<hbm>>
      %dma_start3A_117 = tpu.memref_squeeze %dma_start3A_116 : memref<1x128xf32, #tpu.memory_space<hbm>> -> memref<128xf32, #tpu.memory_space<hbm>>
      tpu.enqueue_dma source(%arg7 : memref<128xf32, #tpu.memory_space<vmem>>) target(%dma_start3A_117 : memref<128xf32, #tpu.memory_space<hbm>>) target_semaphore(%run_scoped3A_111 : memref<!tpu.dma_semaphore, #tpu.memory_space<semaphore_mem>>)
      %dma_wait3A_118 = arith.constant 0 : i32
      %dma_wait3A_119 = tpu.memref_slice %arg4[%run_scoped3A, %dma_wait3A_118] : memref<1x128xf32, #tpu.memory_space<hbm>> -> memref<1x128xf32, #tpu.memory_space<hbm>>
      %dma_wait3A_120 = tpu.memref_squeeze %dma_wait3A_119 : memref<1x128xf32, #tpu.memory_space<hbm>> -> memref<128xf32, #tpu.memory_space<hbm>>
      %dma_wait3A_121 = arith.constant 0 : i32
      %dma_wait3A_122 = tpu.memref_slice %arg4[%run_scoped3A, %dma_wait3A_121] : memref<1x128xf32, #tpu.memory_space<hbm>> -> memref<1x128xf32, #tpu.memory_space<hbm>>
      %dma_wait3A_123 = tpu.memref_squeeze %dma_wait3A_122 : memref<1x128xf32, #tpu.memory_space<hbm>> -> memref<128xf32, #tpu.memory_space<hbm>>
      tpu.wait_dma2 semaphore(%run_scoped3A_111 : memref<!tpu.dma_semaphore, #tpu.memory_space<semaphore_mem>>) src(%arg7 : memref<128xf32, #tpu.memory_space<vmem>>) dst(%dma_wait3A_123 : memref<128xf32, #tpu.memory_space<hbm>>)
      tpu.yield
    }) : () -> ()
    return
  }
}

module attributes {stable_mosaic.version = 14 : i64} {
  func.func @_matvec_body(%arg0: i32, %arg1: memref<1x128xf32, #tpu.memory_space<vmem>>, %arg2: memref<16384x128xf32, #tpu.memory_space<vmem>>, %arg3: memref<16384xf32, #tpu.memory_space<vmem>>, %arg4: memref<1x16384xf32, #tpu.memory_space<vmem>>) attributes {dimension_semantics = [#tpu.dimension_semantics<arbitrary>], iteration_bounds = array<i64: 7>, scalar_prefetch = 0 : i64, scratch_operands = 0 : i64, tpu.core_type = #tpu.core_type<tc>, window_params = [{pipeline_mode = #tpu.pipeline_mode<synchronous>, transform_indices = @transform_0, window_bounds = array<i64: 1, 128>}, {transform_indices = @transform_1, window_bounds = array<i64: 16384, 128>}, {transform_indices = @transform_2, window_bounds = array<i64: 16384>}, {transform_indices = @transform_3, window_bounds = array<i64: 1, 16384>}]} {
    %get3A = arith.constant 0 : index
    %get3A_0 = arith.constant 0 : index
    %get3A_1 = vector.load %arg1[%get3A, %get3A_0] : memref<1x128xf32, #tpu.memory_space<vmem>>, vector<1x128xf32>
    %get3A_2 = arith.constant 0 : index
    %get3A_3 = arith.constant 0 : index
    %get3A_4 = vector.load %arg2[%get3A_2, %get3A_3] : memref<16384x128xf32, #tpu.memory_space<vmem>>, vector<16384x128xf32>
    %dot_general3A = arith.constant dense<0.000000e+00> : vector<1x16384xf32>
    %dot_general3A_5 = tpu.matmul %get3A_1, %get3A_4, %dot_general3A {dimension_numbers = #tpu.dot_dimension_numbers<[1], [1], [0], [0], [0, 0, 1, 0], [], []>, transpose_lhs_hint = false} : vector<1x128xf32>, vector<16384x128xf32>, vector<1x16384xf32> -> vector<1x16384xf32>
    %get3A_6 = arith.constant 0 : index
    %get3A_7 = vector.load %arg3[%get3A_6] : memref<16384xf32, #tpu.memory_space<vmem>>, vector<16384xf32>
    %reshape3A = vector.shape_cast %get3A_7 : vector<16384xf32> to vector<1x16384xf32>
    %add3A = arith.addf %dot_general3A_5, %reshape3A : vector<1x16384xf32>
    %swap3A = arith.constant 0 : index
    %swap3A_8 = arith.constant 0 : index
    %swap3A_9 = vector.load %arg4[%swap3A, %swap3A_8] : memref<1x16384xf32, #tpu.memory_space<vmem>>, vector<1x16384xf32>
    tpu.vector_store %arg4[%swap3A, %swap3A_8], %add3A {strides = array<i32>} : memref<1x16384xf32, #tpu.memory_space<vmem>>, vector<1x16384xf32>,
    return
  }
  func.func @transform_0(%arg0: i32) -> (i32, i32) {
    %c0_i32 = arith.constant 0 : i32
    %c0_i32_0 = arith.constant 0 : i32
    %c0_i32_1 = arith.constant 0 : i32
    return %c0_i32, %c0_i32_0 : i32, i32
  }
  func.func @transform_1(%arg0: i32) -> (i32, i32) {
    %c0_i32 = arith.constant 0 : i32
    %c0_i32_0 = arith.constant 0 : i32
    return %arg0, %c0_i32 : i32, i32
  }
  func.func @transform_2(%arg0: i32) -> i32 {
    %c0_i32 = arith.constant 0 : i32
    return %arg0 : i32
  }
  func.func @transform_3(%arg0: i32) -> (i32, i32) {
    %c0_i32 = arith.constant 0 : i32
    %c0_i32_0 = arith.constant 0 : i32
    return %c0_i32, %arg0 : i32, i32
  }
}

</mosaic_0001>

<sc_bundles>
// kernel: kernel.4.cloned.1.call-start
scs
__scs_entry_jumppad:
0x0: {  	(pc) =	sbr.rel $0x88, $3  }
0x1: {  	(tag) =	ssettag $0x0;
	lr =	simm.s32 $0x1  }
0x2: {  	[smem:$0x3F9D] =	sst lr;
	_ =	strace $0xD0000000  }
0x3: {  	_ = 	snop  }
0x4: {  	_ = 	snop  }
0x5: {  	_ = 	snop  }
0x6: {  	_ = 	snop  }
0x7: {  	_ = 	snop  }
__scs_overlays_trampoline_lowered:
0x8: {  	[smem:$0x3FAC] =	sst s0  }
0x9: {  	[smem:$0x3FAD] =	sst s1  }
0xa: {  	[smem:$0x3FAE] =	sst s2  }
0xb: {  	[smem:$0x3FAF] =	sst s3  }
0xc: {  	[smem:$0x3FB0] =	sst s4  }
0xd: {  	[smem:$0x3FB1] =	sst s5  }
0xe: {  	[smem:$0x3FB2] =	sst s6  }
0xf: {  	[smem:$0x3FB3] =	sst s7  }
0x10: {  	[smem:$0x3FB4] =	sst s8  }
0x11: {  	[smem:$0x3FB5] =	sst s9;
	s0 =	simm.s32 @!p0 $0x0  }
0x12: {  	s1 =	sld [smem:$0x3F9B];
	s0 =	simm.s32 @p0 $0x1  }
0x13: {  	[smem:$0x3FB6] =	sst s0;
	s0 =	simm.s32 @!p1 $0x0  }
0x14: {  	s2 =	sld [smem:$0x3F9A];
	s0 =	simm.s32 @p1 $0x1  }
0x15: {  	[smem:$0x3FB7] =	sst s0;
	s0 =	simm.s32 @!p2 $0x0  }
0x16: {  	s3 =	sld [smem:$0x3FDB];
	s0 =	simm.s32 @p2 $0x1  }
0x17: {  	s4 =	simm.s32 $0x1BF5;
	[smem:$0x3FB9] =	sst s0  }
0x18: {  	s0 =	sld [smem:$0x3F9C];
	_ =	swait.ge [sflag:s4], $0x0  }
0x19: {  	s7 =	sld [smem:$0x3F9D]  }
0x1a: {  	s8 =	sadd.s32 $0xFFFFE003, lr  }
0x1b: {  	s9 =	sadd.s32 $0xFFFFFEF7, lr;
	s5 =	simm.s32 $0xFFFFFFFF;
	p2 =	slt.u32 s8, $0xFFFFF086  }
0x1c: {  	p1 =	slt.u32 s9, $0xF7A;
	s5 =	simm.s32 @!p2 $0x0  }
0x1d: {  	s5 =	simm.s32 @p1 $0x1;
	p0 =	seq.s32 s7, s2  }
0x1e: {  	s7 =	smul.u32 @!p0 $0xF7A, s2;
	p2 =	seq.s32 @!p0 s5, $0x0  }
0x1f: {  	s9 =	smul.u32 $0xF7A, s1;
	s8 =	simm.s32 @!p0 $0x1BF5;
	p2 =	por !p2, p0  }
0x20: {  	[sflag:s8] =	ssyncset.s32 @!p0 $0xFFFFF086;
	s6 =	sadd.s32 @!p0 s3, s7;
	s7 =	simm.s32 @!p0 $0x108  }
0x21: {  	s3 =	sadd.s32 s3, s9;
	s6 =	sadd.s32 @!p0 $0x88, s6;
	s7 =	simm.s32 @p2 $0x1082  }
0x22: {  	[simem:s7], [sflag:s8] =	dma.local @!p0 [hbm:s6], $0xF7A  }
0x23: {  	s9 =	sor.u32 $0xD0000000, s2;
	s6 =	simm.s32 $0x108;
	_ =	swait.ge @!p0 [sflag:s8], $0x0  }
0x24: {  	s3 =	sadd.s32 $0x88, s3;
	s6 =	simm.s32 @!p1 $0x1082;
	[sflag:s4] =	ssyncset.s32 $0xFFFFF086  }
0x25: {  	[simem:s6], [sflag:s4] =	dma.local [hbm:s3], $0xF7A  }
0x26: {  	[smem:$0x3F9D] =	sst s1;
	(tag) =	ssettag s2;
	_ =	strace s9  }
0x27: {  	s1 =	sld [smem:$0x3FAD]  }
0x28: {  	s2 =	sld [smem:$0x3FAE]  }
0x29: {  	s4 =	sld [smem:$0x3FB0]  }
0x2a: {  	p0 =	seq.s32 s5, $0x0;
	s5 =	sld [smem:$0x3FB1]  }
0x2b: {  	s6 =	sld [smem:$0x3FB2]  }
0x2c: {  	s7 =	sld [smem:$0x3FB3]  }
0x2d: {  	s3 =	simm.s32 $0x108;
	s8 =	sld [smem:$0x3FB4]  }
0x2e: {  	s3 =	simm.s32 @!p0 $0x1082;
	s9 =	sld [smem:$0x3FB5]  }
0x2f: {  	lr =	sadd.s32 s0, s3;
	s0 =	sld [smem:$0x3FAC]  }
0x30: {  	s3 =	sld [smem:$0x3FAF]  }
0x31: {  	[smem:$0x3FB8] =	sst s10  }
0x32: {  	s10 =	sld [smem:$0x3FB6];
	_ =	sdelay $0x3  }
0x33: {  	p0 =	seq.s32 s10, $0x1;
	s10 =	sld [smem:$0x3FB8];
	_ =	sdelay $0x3  }
0x34: {  	[smem:$0x3FB8] =	sst s10  }
0x35: {  	s10 =	sld [smem:$0x3FB7];
	_ =	sdelay $0x3  }
0x36: {  	p1 =	seq.s32 s10, $0x1;
	s10 =	sld [smem:$0x3FB8];
	_ =	sdelay $0x3  }
0x37: {  	[smem:$0x3FB8] =	sst s10  }
0x38: {  	s10 =	sld [smem:$0x3FB9]  }
0x39: {  	_ = 	snop;
	(pc) =	sbr.ind lr, $3  }
0x3a: {  	_ = 	snop  }
0x3b: {  	_ = 	snop  }
0x3c: {  	p2 =	seq.s32 s10, $0x1;
	s10 =	sld [smem:$0x3FB8]  }
0x3d: {  	_ =	shalt  }
0x3e: {  	_ =	shalt  }
0x3f: {  	_ =	shalt  }
0x40: {  	_ =	shalt  }
0x41: {  	_ =	shalt  }
0x42: {  	_ =	shalt  }
0x43: {  	_ =	shalt  }
0x44: {  	_ =	shalt  }
0x45: {  	_ =	shalt  }
0x46: {  	_ =	shalt  }
0x47: {  	_ =	shalt  }
0x48: {  	_ =	shalt  }
0x49: {  	_ =	shalt  }
0x4a: {  	_ =	shalt  }
0x4b: {  	_ =	shalt  }
0x4c: {  	_ =	shalt  }
0x4d: {  	_ =	shalt  }
0x4e: {  	_ =	shalt  }
0x4f: {  	_ =	shalt  }
0x50: {  	_ =	shalt  }
0x51: {  	_ =	shalt  }
0x52: {  	_ =	shalt  }
0x53: {  	_ =	shalt  }
0x54: {  	_ =	shalt  }
0x55: {  	_ =	shalt  }
0x56: {  	_ =	shalt  }
0x57: {  	_ =	shalt  }
0x58: {  	_ =	shalt  }
0x59: {  	_ =	shalt  }
0x5a: {  	_ =	shalt  }
0x5b: {  	_ =	shalt  }
0x5c: {  	_ =	shalt  }
0x5d: {  	_ =	shalt  }
0x5e: {  	_ =	shalt  }
0x5f: {  	_ =	shalt  }
0x60: {  	_ =	shalt  }
0x61: {  	_ =	shalt  }
0x62: {  	_ =	shalt  }
0x63: {  	_ =	shalt  }
0x64: {  	_ =	shalt  }
0x65: {  	_ =	shalt  }
0x66: {  	_ =	shalt  }
0x67: {  	_ =	shalt  }
0x68: {  	_ =	shalt  }
0x69: {  	_ =	shalt  }
0x6a: {  	_ =	shalt  }
0x6b: {  	_ =	shalt  }
0x6c: {  	_ =	shalt  }
0x6d: {  	_ =	shalt  }
0x6e: {  	_ =	shalt  }
0x6f: {  	_ =	shalt  }
0x70: {  	_ =	shalt  }
0x71: {  	_ =	shalt  }
0x72: {  	_ =	shalt  }
0x73: {  	_ =	shalt  }
0x74: {  	_ =	shalt  }
0x75: {  	_ =	shalt  }
0x76: {  	_ =	shalt  }
0x77: {  	_ =	shalt  }
0x78: {  	_ =	shalt  }
0x79: {  	_ =	shalt  }
0x7a: {  	_ =	shalt  }
0x7b: {  	_ =	shalt  }
0x7c: {  	_ =	shalt  }
0x7d: {  	_ =	shalt  }
0x7e: {  	_ =	shalt  }
0x7f: {  	_ =	shalt  }
0x80: {  	_ =	shalt  }
0x81: {  	_ =	shalt  }
0x82: {  	_ =	shalt  }
0x83: {  	_ =	shalt  }
0x84: {  	_ =	shalt  }
0x85: {  	_ =	shalt  }
0x86: {  	_ =	shalt  }
0x87: {  	_ =	shalt  }
.Lfunc_end0:
.L_simem_size_0:
called_computation_lowered:
.L_overlay_start_0:
0x88: {  	s0 =	sld [smem:$0x3FD9]  }
0x89: {  	s1 =	sld [smem:$0x3FFE];
	_ =	sdelay $0x3  }
0x8a: {  	s0 =	sadd.s32 s1, s0  }
0x8b: {  	[smem:$0x3FC4] =	sst s0  }
0x8c: {  	_ = 	snop  }
0x8d: {  	s0 =	sld [smem:$0x3FC9]  }
0x8e: {  	s17 =	sld [smem:$0x3FC8]  }
0x8f: {  	s2 =	sld [smem:$0x3FD0];
	(tm) =	ssettm $0x1  }
0x90: {  	s3 =	sld [smem:$0x3FFB];
	_ =	sdelay $0x3  }
0x91: {  	_ =	strace s3  }
0x92: {  	s3 =	sld [smem:$0x3FFC];
	_ =	sdelay $0x3  }
0x93: {  	_ =	strace s3  }
0x94: {  	s3 =	sld [smem:$0x3FFD];
	_ =	sdelay $0x3  }
0x95: {  	_ =	strace s3  }
0x96: {  	_ =	strace $0x8FFFFFFF  }
0x97: {  	s18 =	sld [smem:$0x3FDB];
	_ =	sdelay $0x1  }
0x98: {  	s4 =	simm.s32 $_scs_section_size  }
0x99: {  	s5 =	simm.s32 $_size__tile_overlayer_lowered;
	s6 =	simm.s32 $_tile_overlayer_lowered  }
0x9a: {  	s21 =	simm.s32 $0x1BFF;
	s20 =	sshll.u32 s6, $0x1;
	s3 =	sadd.s32 s4, s18  }
0x9b: {  	s7 =	simm.s32 $0x0;
	s19 =	sshll.u32 s5, $0x1;
	s5 =	sadd.s32 s20, s3  }
0x9c: {  	[timem:s7], [sflag:s21] =	dma.local [hbm:s5], s19  }
0x9d: {  	_ =	swait.ge [sflag:s21], s19  }
0x9e: {  	s4 =	ssub.s32 $0x0, s19;
	[sflag:s21] =	ssyncset.done $0x0  }
0x9f: {  	[sflag:s21] =	ssyncadd.s32 s4;
	_ =	sdelay $0x1  }
0xa0: {  	s22 =	simm.s32 $0x1B8B  }
0xa1: {  	_ =	swait.ge [sflag:s22], $0x1  }
0xa2: {  	[sflag:s22] =	ssyncset.done $0x0  }
0xa3: {  	s23 =	simm.s32 $0x1B8E;
	[sflag:s22] =	ssyncadd.s32 $0xFFFFFFFF  }
0xa4: {  	s24 =	simm.s32 $execute0_lowered;
	[smem:$0x3FD2] =	sst s23  }
0xa5: {  	s4 =	sshll.u32 s24, $0x1;
	_ =	strace $0x80000046;
	[dreg:$0x1] =	wrdreg $0xFFFFFFFF  }
0xa6: {  	s25 =	simm.s32 $_size_execute0_lowered;
	s3 =	sadd.s32 s3, s4;
	[dreg:$0x0] =	wrdreg $0x0  }
0xa7: {  	s4 =	sshll.u32 s25, $0x1;
	[dreg:$0x2] =	wrdreg s3  }
0xa8: {  	[dreg:$0x3] =	wrdreg s4  }
0xa9: {  	[dreg:$0x4] =	wrdreg $0xC0  }
0xaa: {  	_ =	task [dreg:s7], $0x5FFFF  }
0xab: {  	[dreg:$0x1] =	wrdreg $0xFFFFFFFF  }
0xac: {  	[dreg:$0x0] =	wrdreg $0x60  }
0xad: {  	[dreg:$0x2] =	wrdreg s0  }
0xae: {  	[dreg:$0x3] =	wrdreg s17  }
0xaf: {  	[dreg:$0x4] =	wrdreg s2  }
0xb0: {  	[dreg:$0x5] =	wrdreg $0x9  }
0xb1: {  	_ =	task.clear_ibuf [dreg:s7], $0x6FFFF;
	_ =	strace $0x90000046  }
0xb2: {  	s26 =	simm.s32 $0x9;
	_ =	strace $0x80000048  }
0xb3: {  	_ =	swait.ge [sflag:s26], $0x1  }
0xb4: {  	[sflag:s26] =	ssyncadd.s32 $0xFFFFFFFF  }
0xb5: {  	_ =	strace $0x90000048  }
0xb6: {  	_ =	sfence  }
0xb7: {  	s28 =	sld [smem:$0x0];
	_ =	sdelay $0x1  }
0xb8: {  	s29 =	srdreg.scid  }
0xb9: {  	s30 =	sshll.u32 s29, $0xD;
	s31 =	sshrl.u32 s29, $0x2  }
0xba: {  	s1 =	sand.u32 $0x1, s29;
	s2 =	sand.u32 $0x4000, s30;
	s0 =	sadd.s32 s31, s28  }
0xbb: {  	s1 =	sor.u32 s2, s1;
	s0 =	sshll.u32 s0, $0x11  }
0xbc: {  	s0 =	sor.u32 s0, s1  }
0xbd: {  	s0 =	sadd.s32 $0x8F2B, s0  }
0xbe: {  	[sflag:s0] =	ssyncadd.remote.s32 $0x1  }
0xbf: {  	_ =	sfence.sel $0xFFFF  }
0xc0: {  	[dreg:$0x0] =	wrdreg $0xFFFFFFFF;
	(pc) =	sbr.abs _section_cstart, $3  }
0xc1: {  	[dreg:$0x1] =	wrdreg $0xFFFFFFFF  }
0xc2: {  	_ =	task.clear_ibuf [dreg:s7], $0x2FFFF;
	_ =	strace $0x9FFFFFFF  }
0xc3: {  	(tm) =	ssettm $0x7FFFFFFF  }
tec
execute0_lowered:
.L_overlay_start_1:
0x0: {  	(tag) =	ssettag $0x1  }
0x1: {  	s4 =	stileid.u32  }
0x2: {  	p0 =	sne.s32 s4, $0x0  }
.Ltmp0:
0x3: {  	_ = 	snop;
	(pc) =	sbr.rel @p0 .LBB2_6-.Ltmp0, $4  }
0x4: {  	s3 =	rddreg [dreg:$0x0]  }
0x5: {  	s2 =	rddreg [dreg:$0x1]  }
0x6: {  	s1 =	rddreg [dreg:$0x2]  }
0x7: {  	s0 =	rddreg [dreg:$0x3];
	_ =	strace $0x80000047  }
0x8: {  	s4 =	simm.s32 $0x0;
	s25 =	simm.s32 $0x3  }
0x9: {  	[tilespmem:s4], [sflag:$0x3] =	stream.linear.gather [hbm4b:s3+s4], $0x100, $0x38;
	[tilespmem:$0x6580] =	vst v63  }
0xa: {  	_ =	swait.ge [sflag:s25], $0x100  }
0xb: {  	[sflag:s25] =	ssyncset.done $0x0  }
0xc: {  	s26 =	simm.s32 $0x68;
	s5 =	simm.s32 $0x100;
	[sflag:s25] =	ssyncadd.s32 $0xFFFFFF00  }
0xd: {  	[tilespmem:s5], [sflag:$0x1] =	stream.indirect.gather [hbm4b:s2+s26], $0x80, s4, s26, $0xb8;
	[tilespmem:$0x6580] =	vst v63  }
0xe: {  	s28 =	simm.s32 $0x60;
	s29 =	simm.s32 $0x3500;
	s30 =	simm.s32 $0x1  }
0xf: {  	[tilespmem:s29], [sflag:$0x2] =	stream.indirect.gather [hbm4b:s2+s28], $0x80, s26, s28, $0xb8;
	[tilespmem:$0x6580] =	vst v63  }
0x10: {  	_ =	swait.ge [sflag:s30], $0x3400  }
0x11: {  	[sflag:s30] =	ssyncset.done $0x0  }
0x12: {  	[sflag:s30] =	ssyncadd.s32 $0xFFFFCC00  }
0x13: {  	v6 =	vld [tilespmem:$0x100]  }
0x14: {  	v7 =	vld [tilespmem:$0x110]  }
0x15: {  	v3 =	vld [tilespmem:$0x120]  }
0x16: {  	v4 =	vld [tilespmem:$0x130]  }
0x17: {  	v1 =	vld [tilespmem:$0x140]  }
0x18: {  	v2 =	vld [tilespmem:$0x150]  }
0x19: {  	v0 =	vld [tilespmem:$0x160]  }
0x1a: {  	s31 =	simm.s32 $0xF0;
	v5 =	vld [tilespmem:$0x170]  }
0x1b: {  	v11 =	vld [tilespmem:s31+$0x100]  }
0x1c: {  	v12 =	vld [tilespmem:s31+$0x90]  }
0x1d: {  	v13 =	vld [tilespmem:s31+$0xA0]  }
0x1e: {  	v9 =	vld [tilespmem:s31+$0xB0]  }
0x1f: {  	v10 =	vld [tilespmem:s31+$0xC0]  }
0x20: {  	v8 =	vld [tilespmem:s31+$0xD0]  }
0x21: {  	v5 =	vadd.f32 v11, v5;
	v11 =	vld [tilespmem:s31+$0xE0]  }
0x22: {  	s3 =	simm.s32 $0x7C0;
	s2 =	simm.s32 $0x170;
	v6 =	vadd.f32 v12, v6;
	v7 =	vadd.f32 v13, v7;
	v12 =	vld [tilespmem:s31+$0xF0]  }
.LBB2_2:
0x23: {  	p1 =	sne.s32 s3, $0xCFC0;
	v13 =	vld [tilespmem:s2+$0x100];
	v3 =	vadd.f32 v9, v3  }
0x24: {  	v14 =	vld [tilespmem:s2+$0x90];
	v4 =	vadd.f32 v10, v4  }
0x25: {  	v15 =	vld [tilespmem:s2+$0xA0];
	v1 =	vadd.f32 v8, v1  }
.Ltmp1:
0x26: {  	v9 =	vld [tilespmem:s2+$0xB0];
	v2 =	vadd.f32 v11, v2;
	(pc) =	sbr.rel @p1 .LBB2_2-.Ltmp1, $4  }
0x27: {  	v10 =	vld [tilespmem:s2+$0xC0];
	v0 =	vadd.f32 v12, v0  }
0x28: {  	v8 =	vld [tilespmem:s2+$0xD0];
	v5 =	vadd.f32 v13, v5  }
0x29: {  	v6 =	vadd.f32 v14, v6;
	v11 =	vld [tilespmem:s2+$0xE0]  }
0x2a: {  	v7 =	vadd.f32 v15, v7;
	v12 =	vld [tilespmem:s2+$0xF0];
	s2 =	sshra.s32 s3, $0x2;
	s3 =	sadd.s32 $0x200, s3  }
0x2b: {  	v13 =	vld [tilespmem:s2+$0x100]  }
0x2c: {  	v14 =	vld [tilespmem:s2+$0x90]  }
0x2d: {  	v15 =	vld [tilespmem:s2+$0xA0]  }
0x2e: {  	v16 =	vld [tilespmem:s2+$0xB0]  }
0x2f: {  	v17 =	vld [tilespmem:s2+$0xC0]  }
0x30: {  	v18 =	vld [tilespmem:s2+$0xD0]  }
0x31: {  	v19 =	vld [tilespmem:s2+$0xE0];
	s31 =	simm.s32 $0x2  }
0x32: {  	v20 =	vld [tilespmem:s2+$0xF0];
	_ =	swait.ge [sflag:s31], $0x3000  }
0x33: {  	[sflag:s31] =	ssyncset.done $0x0  }
0x34: {  	s4 =	simm.s32 $0x0;
	[sflag:s31] =	ssyncadd.s32 $0xFFFFD000  }
0x35: {  	v3 =	vadd.f32 v9, v3;
	v4 =	vadd.f32 v10, v4;
	v9 =	vld [tilespmem:s4+$0x3570]  }
0x36: {  	v1 =	vadd.f32 v8, v1;
	v2 =	vadd.f32 v11, v2;
	v10 =	vld [tilespmem:s4+$0x3500]  }
0x37: {  	v0 =	vadd.f32 v12, v0;
	v12 =	vld [tilespmem:s4+$0x3510];
	v11 =	vadd.f32 v13, v5  }
0x38: {  	v13 =	vadd.f32 v14, v6;
	v14 =	vadd.f32 v15, v7;
	v6 =	vld [tilespmem:s4+$0x3520]  }
0x39: {  	v5 =	vadd.f32 v16, v3;
	v4 =	vadd.f32 v17, v4;
	v7 =	vld [tilespmem:s4+$0x3530]  }
0x3a: {  	v8 =	vld [tilespmem:s4+$0x3540];
	v3 =	vadd.f32 v18, v1;
	v2 =	vadd.f32 v19, v2  }
0x3b: {  	v1 =	vadd.f32 v20, v0;
	v0 =	vadd.f32 v9, v11;
	v9 =	vld [tilespmem:s4+$0x3550]  }
0x3c: {  	s2 =	simm.s32 $0x80;
	s3 =	simm.s32 $0x400;
	v10 =	vadd.f32 v10, v13;
	v11 =	vadd.f32 v12, v14;
	v12 =	vld [tilespmem:s4+$0x3560]  }
.LBB2_4:
0x3d: {  	p1 =	sne.s32 s3, $0xBE00;
	v13 =	vld [tilespmem:s2+$0x3570];
	v5 =	vadd.f32 v6, v5  }
0x3e: {  	v14 =	vld [tilespmem:s2+$0x3500];
	v4 =	vadd.f32 v7, v4  }
0x3f: {  	v15 =	vld [tilespmem:s2+$0x3510];
	v3 =	vadd.f32 v8, v3  }
.Ltmp2:
0x40: {  	v6 =	vld [tilespmem:s2+$0x3520];
	v2 =	vadd.f32 v9, v2;
	(pc) =	sbr.rel @p1 .LBB2_4-.Ltmp2, $4  }
0x41: {  	v7 =	vld [tilespmem:s2+$0x3530];
	v1 =	vadd.f32 v12, v1  }
0x42: {  	v8 =	vld [tilespmem:s2+$0x3540];
	v0 =	vadd.f32 v13, v0  }
0x43: {  	v10 =	vadd.f32 v14, v10;
	v9 =	vld [tilespmem:s2+$0x3550]  }
0x44: {  	v11 =	vadd.f32 v15, v11;
	v12 =	vld [tilespmem:s2+$0x3560];
	s2 =	sshra.s32 s3, $0x2;
	s3 =	sadd.s32 $0x200, s3  }
0x45: {  	v14 =	vld [tilespmem:s2+$0x3500]  }
0x46: {  	v15 =	vld [tilespmem:s2+$0x3510]  }
0x47: {  	v16 =	vld [tilespmem:s2+$0x3520]  }
0x48: {  	v17 =	vld [tilespmem:s2+$0x3530]  }
0x49: {  	v18 =	vld [tilespmem:s2+$0x3540]  }
0x4a: {  	v5 =	vadd.f32 v6, v5;
	v61 =	vld [tilespmem:s2+$0x3550];
	v60 =	vadd.f32 v14, v10  }
0x4b: {  	v13 =	vld [tilespmem:s2+$0x3570];
	v4 =	vadd.f32 v7, v4;
	v62 =	vadd.f32 v15, v11  }
0x4c: {  	v63 =	vld [tilespmem:s2+$0x3560];
	v3 =	vadd.f32 v8, v3;
	v5 =	vadd.f32 v16, v5;
	[tilespmem:$0x6500] =	vst v60  }
0x4d: {  	v2 =	vadd.f32 v9, v2;
	v4 =	vadd.f32 v17, v4;
	[tilespmem:$0x6510] =	vst v62  }
0x4e: {  	v3 =	vadd.f32 v18, v3;
	[tilespmem:$0x6520] =	vst v5  }
0x4f: {  	v1 =	vadd.f32 v12, v1;
	v2 =	vadd.f32 v61, v2;
	[tilespmem:$0x6530] =	vst v4  }
0x50: {  	v0 =	vadd.f32 v13, v0;
	[tilespmem:$0x6540] =	vst v3  }
0x51: {  	v1 =	vadd.f32 v63, v1;
	[tilespmem:$0x6550] =	vst v2  }
0x52: {  	[tilespmem:$0x6570] =	vst v0  }
0x53: {  	s30 =	simm.s32 $0x0;
	s3 =	simm.s32 $0x6500;
	s31 =	simm.s32 $0x3;
	[tilespmem:$0x6560] =	vst v1  }
0x54: {  	[hbm4b:s1+s30] =	stream.linear.scatter [tilespmem:s3], [sflag:$0x3], $0x80, $0x38;
	[tilespmem:$0x6580] =	vst v63  }
0x55: {  	_ =	swait.ge [sflag:s31], $0x80  }
0x56: {  	[sflag:s31] =	ssyncset.done $0x0  }
0x57: {  	[sflag:s31] =	ssyncadd.s32 $0xFFFFFF80  }
.LBB2_6:
0x58: {  	_ =	sfence.sel $0x180000  }
0x59: {  	[bflag:$0x0] =	sbarrier.arrive $0xFFFF  }
0x5a: {  	_ =	strace $0x90000047  }
0x5b: {  	s0 =	sadd.s32 @!p0 $0x100000, s0;
	[bflag:$0x2] =	sbarrier.arrive $0xFFFF  }
0x5c: {  	[sflag:s0] =	ssyncadd.tile.s32 @!p0 $0x1;
	_ =	shalt  }
.Lfunc_end2:
_tile_overlayer_lowered:
.L_overlay_start_2:
0x5d: {  	(tag) =	ssettag $0x2  }
0x5e: {  	s0 =	rddreg [dreg:$0x0];
	s2 =	stileid.u32  }
0x5f: {  	s1 =	rddreg [dreg:$0x1];
	p0 =	sne.s32 s2, $0x0  }
0x60: {  	s3 =	rddreg [dreg:$0x2];
	[bflag:$0x3] =	sbarrier.arrive $0xFFFF;
	s2 =	simm.s32 @!p0 $0x1C03  }
0x61: {  	[timem:s3], [sflag:s2] =	dma.local @!p0 [hbm:s0], s1  }
0x62: {  	s0 =	simm.s32 @!p0 $0x3  }
0x63: {  	_ =	swait.ge @!p0 [sflag:s0], s1  }
0x64: {  	s1 =	ssub.s32 @!p0 $0x0, s1;
	[sflag:s0] =	ssyncset.done @!p0 $0x0  }
0x65: {  	[sflag:s0] =	ssyncadd.s32 @!p0 s1  }
0x66: {  	[bflag:$0x3] =	sbarrier.arrive $0xFFFF  }
0x67: {  	_ =	shalt  }

</sc_bundles>
